<compile_context>
chip_gen: v7x
topology: tpu7x:2x2x1
jax: 0.10.2.dev20260603
libtpu: 0.0.44.dev20260713+nightly
codegen_flags: <defaults>
</compile_context>

<pallas_src>
import functools

import jax
import jax.numpy as jnp
from jax import lax
from jax.experimental import pallas as pl
from jax.experimental.pallas import tpu as pltpu
from jax.experimental.pallas import tpu_sc as plsc

K_Q = 65536
D = 128
B_K = 4096
MASK = K_Q - 1
NS = 16
PC = B_K // NS
IL = 128


def _sc_body(keys_hbm, ptr_hbm, out_hbm, ptr_v, idx_a, idx_b, buf_v, sem):
    w = lax.axis_index("s")
    tp = pl.multiple_of(w * PC, PC)
    pltpu.sync_copy(ptr_hbm, ptr_v.at[pl.ds(0, 1)])
    p = ptr_v[...][0]
    dp = (p + tp) & MASK
    lin = jnp.logical_and((p & 7) == 0, dp <= K_Q - PC)

    pltpu.sync_copy(keys_hbm.at[pl.ds(tp, PC)], buf_v)

    @pl.when(lin)
    def _():
        dpa = pl.multiple_of(dp, 8)
        pltpu.sync_copy(buf_v, out_hbm.at[pl.ds(dpa, PC)])

    @pl.when(jnp.logical_not(lin))
    def _():
        for h, idx_r in enumerate((idx_a, idx_b)):
            base = dp + h * IL
            for q in range(IL // 16):
                idx_r[pl.ds(q * 16, 16)] = (
                    base + q * 16 + lax.iota(jnp.int32, 16)) & MASK
            pltpu.async_copy(buf_v.at[pl.ds(h * IL, IL)],
                             out_hbm.at[idx_r], sem).wait()


def kernel(keys, queue, ptr):
    mesh = plsc.VectorSubcoreMesh(
        core_axis_name="c", subcore_axis_name="s", num_cores=1)
    enqueue = functools.partial(
        pl.kernel,
        mesh=mesh,
        scratch_types=[
            pltpu.VMEM((16,), jnp.int32),
            pltpu.VMEM((IL,), jnp.int32),
            pltpu.VMEM((IL,), jnp.int32),
            pltpu.VMEM((PC, D), jnp.float32),
            pltpu.SemaphoreType.DMA,
        ],
    )(_sc_body)
    out_ref = jax.new_ref(queue)
    enqueue(keys, ptr.astype(jnp.int32), out_ref)
    return out_ref[...]

# --- scband reference (transcript-rebuilt; emitter-appended) ---
"""Pipeline reference for scband-clqueue-10411000725760 (READ-ONLY COPY).

The authoritative reference and input builder live on the scoring server;
editing this copy changes nothing except your own understanding.
"""

import jax, jax.numpy as jnp
import numpy as np

K_QUEUE = 65536
DIM = 128
BATCH = 4096

def setup_inputs(seed: int = 0) -> dict:
    key = jax.random.key(seed)
    k1, k2 = jax.random.split(key)
    # Buffer 'queue': F.normalize(randn(K, dim), dim=1)
    q = jax.random.normal(k1, (K_QUEUE, DIM), dtype=jnp.float32)
    q = q / jnp.linalg.norm(q, axis=1, keepdims=True)
    keys = jax.random.normal(k2, (BATCH, DIM), dtype=jnp.float32)
    ptr = jnp.zeros((1,), dtype=jnp.int32)  # buffer 'ptr', starts at 0
    return {"keys": keys, "queue": q, "ptr": ptr}

def reference(keys, queue, ptr):
    # CLQueue.enqueue(keys) followed by get().
    # Torch does ring-buffer writes (with wrap-around split); equivalently a
    # scatter-overwrite at indices (ptr + arange(B)) % K.
    K = queue.shape[0]
    B = keys.shape[0]
    # enqueue is @torch.no_grad() and uses keys.detach()
    k = jax.lax.stop_gradient(keys)
    idx = (ptr[0].astype(jnp.int32) + jnp.arange(B, dtype=jnp.int32)) % K
    new_queue = queue.at[idx].set(k)
    return new_queue

if __name__ == "__main__":
    import jax
    _d = setup_inputs()
    print(jax.jit(kernel)(*tuple(_d.values())))

</pallas_src>

<mosaic_0001>
#map = affine_map<(d0, d1) -> (0, 0)>
#map1 = affine_map<(d0, d1) -> (0)>
module attributes {stable_mosaic.version = 14 : i64} {
  func.func @new_body(%arg0: i32, %arg1: i32, %arg2: memref<4096x128xf32, #tpu.memory_space<hbm>>, %arg3: memref<1xi32, #tpu.memory_space<hbm>>, %arg4: memref<65536x128xf32, #tpu.memory_space<hbm>>, %arg5: memref<65536x128xf32, #tpu.memory_space<hbm>>, %arg6: memref<16xi32, #tpu.memory_space<vmem>>, %arg7: memref<128xi32, #tpu.memory_space<vmem>>, %arg8: memref<128xi32, #tpu.memory_space<vmem>>, %arg9: memref<256x128xf32, #tpu.memory_space<vmem>>, %arg10: memref<!tpu.dma_semaphore, #tpu.memory_space<semaphore_mem>>) attributes {dimension_semantics = [#tpu.dimension_semantics<core_parallel>, #tpu.dimension_semantics<subcore_parallel>], iteration_bounds = array<i64: 1, 16>, scalar_prefetch = 0 : i64, scratch_operands = 5 : i64, tpu.core_type = #tpu.core_type<sc_vector_subcore>, window_params = [{transform_indices = #map}, {transform_indices = #map1}, {transform_indices = #map}, {transform_indices = #map}]} {
    %mul3A = arith.constant 256 : i32
    %mul3A_0 = arith.muli %arg1, %mul3A : i32
    %multiple_of3A = tpu.assume_multiple %mul3A_0, 256 : i32
    "tpu.region"() ({
      %run_scoped3A = tpu.sem_alloc : memref<!tpu.dma_semaphore, #tpu.memory_space<semaphore_mem>>
      %dma_start3A = arith.constant 0 : i32
      %dma_start3A_14 = tpu.memref_slice %arg6[%dma_start3A] : memref<16xi32, #tpu.memory_space<vmem>> -> memref<1xi32, #tpu.memory_space<vmem>>
      %dma_start3A_15 = arith.constant 0 : i32
      %dma_start3A_16 = tpu.memref_slice %arg6[%dma_start3A_15] : memref<16xi32, #tpu.memory_space<vmem>> -> memref<1xi32, #tpu.memory_space<vmem>>
      tpu.enqueue_dma source(%arg3 : memref<1xi32, #tpu.memory_space<hbm>>) target(%dma_start3A_16 : memref<1xi32, #tpu.memory_space<vmem>>) target_semaphore(%run_scoped3A : memref<!tpu.dma_semaphore, #tpu.memory_space<semaphore_mem>>)
      %dma_wait3A = arith.constant 0 : i32
      %dma_wait3A_17 = tpu.memref_slice %arg6[%dma_wait3A] : memref<16xi32, #tpu.memory_space<vmem>> -> memref<1xi32, #tpu.memory_space<vmem>>
      %dma_wait3A_18 = arith.constant 0 : i32
      %dma_wait3A_19 = tpu.memref_slice %arg6[%dma_wait3A_18] : memref<16xi32, #tpu.memory_space<vmem>> -> memref<1xi32, #tpu.memory_space<vmem>>
      tpu.wait_dma2 semaphore(%run_scoped3A : memref<!tpu.dma_semaphore, #tpu.memory_space<semaphore_mem>>) src(%arg3 : memref<1xi32, #tpu.memory_space<hbm>>) dst(%dma_wait3A_19 : memref<1xi32, #tpu.memory_space<vmem>>)
      tpu.yield
    }) : () -> ()
    %get3A = arith.constant 0 : index
    %get3A_1 = tpu.vector_load %arg6[%get3A] {strides = array<i32>} : memref<16xi32, #tpu.memory_space<vmem>>, vector<16xi32>,
    %get3A_2 = vector.shape_cast %get3A_1 : vector<16xi32> to vector<16xi32>
    %slice3A = vector.extract_strided_slice %get3A_2 {offsets = [0], sizes = [1], strides = [1]} : vector<16xi32> to vector<1xi32>
    %squeeze3A = vector.extract %slice3A[0] : i32 from vector<1xi32>
    %add3A = arith.addi %squeeze3A, %multiple_of3A : i32
    %and3A = arith.constant 65535 : i32
    %and3A_3 = arith.andi %add3A, %and3A : i32
    %and3A_4 = arith.constant 7 : i32
    %and3A_5 = arith.andi %squeeze3A, %and3A_4 : i32
    %eq3A = arith.constant 0 : i32
    %eq3A_6 = arith.cmpi eq, %and3A_5, %eq3A : i32
    %le3A = arith.constant 65280 : i32
    %le3A_7 = arith.cmpi sle, %and3A_3, %le3A : i32
    %and3A_8 = arith.andi %eq3A_6, %le3A_7 : i1
    "tpu.region"() ({
      %run_scoped3A = tpu.sem_alloc : memref<!tpu.dma_semaphore, #tpu.memory_space<semaphore_mem>>
      %dma_start3A = arith.constant 0 : i32
      %dma_start3A_14 = tpu.memref_slice %arg2[%multiple_of3A, %dma_start3A] : memref<4096x128xf32, #tpu.memory_space<hbm>> -> memref<256x128xf32, #tpu.memory_space<hbm>>
      %dma_start3A_15 = arith.constant 0 : i32
      %dma_start3A_16 = tpu.memref_slice %arg2[%multiple_of3A, %dma_start3A_15] : memref<4096x128xf32, #tpu.memory_space<hbm>> -> memref<256x128xf32, #tpu.memory_space<hbm>>
      tpu.enqueue_dma source(%dma_start3A_16 : memref<256x128xf32, #tpu.memory_space<hbm>>) target(%arg9 : memref<256x128xf32, #tpu.memory_space<vmem>>) target_semaphore(%run_scoped3A : memref<!tpu.dma_semaphore, #tpu.memory_space<semaphore_mem>>)
      %dma_wait3A = arith.constant 0 : i32
      %dma_wait3A_17 = tpu.memref_slice %arg2[%multiple_of3A, %dma_wait3A] : memref<4096x128xf32, #tpu.memory_space<hbm>> -> memref<256x128xf32, #tpu.memory_space<hbm>>
      %dma_wait3A_18 = arith.constant 0 : i32
      %dma_wait3A_19 = tpu.memref_slice %arg2[%multiple_of3A, %dma_wait3A_18] : memref<4096x128xf32, #tpu.memory_space<hbm>> -> memref<256x128xf32, #tpu.memory_space<hbm>>
      tpu.wait_dma2 semaphore(%run_scoped3A : memref<!tpu.dma_semaphore, #tpu.memory_space<semaphore_mem>>) src(%dma_wait3A_19 : memref<256x128xf32, #tpu.memory_space<hbm>>) dst(%arg9 : memref<256x128xf32, #tpu.memory_space<vmem>>)
      tpu.yield
    }) : () -> ()
    %convert_element_type3A = arith.extui %and3A_8 : i1 to i32
    %cond3A = arith.constant 0 : i32
    %cond3A_9 = arith.cmpi ne, %convert_element_type3A, %cond3A : i32
    scf.if %cond3A_9 {
      %multiple_of3A_14 = tpu.assume_multiple %and3A_3, 8 : i32
      "tpu.region"() ({
        %run_scoped3A = tpu.sem_alloc : memref<!tpu.dma_semaphore, #tpu.memory_space<semaphore_mem>>
        %dma_start3A = arith.constant 0 : i32
        %dma_start3A_15 = tpu.memref_slice %arg4[%multiple_of3A_14, %dma_start3A] : memref<65536x128xf32, #tpu.memory_space<hbm>> -> memref<256x128xf32, #tpu.memory_space<hbm>>
        %dma_start3A_16 = arith.constant 0 : i32
        %dma_start3A_17 = tpu.memref_slice %arg4[%multiple_of3A_14, %dma_start3A_16] : memref<65536x128xf32, #tpu.memory_space<hbm>> -> memref<256x128xf32, #tpu.memory_space<hbm>>
        tpu.enqueue_dma source(%arg9 : memref<256x128xf32, #tpu.memory_space<vmem>>) target(%dma_start3A_17 : memref<256x128xf32, #tpu.memory_space<hbm>>) target_semaphore(%run_scoped3A : memref<!tpu.dma_semaphore, #tpu.memory_space<semaphore_mem>>)
        %dma_wait3A = arith.constant 0 : i32
        %dma_wait3A_18 = tpu.memref_slice %arg4[%multiple_of3A_14, %dma_wait3A] : memref<65536x128xf32, #tpu.memory_space<hbm>> -> memref<256x128xf32, #tpu.memory_space<hbm>>
        %dma_wait3A_19 = arith.constant 0 : i32
        %dma_wait3A_20 = tpu.memref_slice %arg4[%multiple_of3A_14, %dma_wait3A_19] : memref<65536x128xf32, #tpu.memory_space<hbm>> -> memref<256x128xf32, #tpu.memory_space<hbm>>
        tpu.wait_dma2 semaphore(%run_scoped3A : memref<!tpu.dma_semaphore, #tpu.memory_space<semaphore_mem>>) src(%arg9 : memref<256x128xf32, #tpu.memory_space<vmem>>) dst(%dma_wait3A_20 : memref<256x128xf32, #tpu.memory_space<hbm>>)
        tpu.yield
      }) : () -> ()
    } else {
    }
    %not3A = arith.constant true
    %not3A_10 = arith.xori %and3A_8, %not3A : i1
    %convert_element_type3A_11 = arith.extui %not3A_10 : i1 to i32
    %cond3A_12 = arith.constant 0 : i32
    %cond3A_13 = arith.cmpi ne, %convert_element_type3A_11, %cond3A_12 : i32
    scf.if %cond3A_13 {
      %add3A_14 = arith.constant 0 : i32
      %add3A_15 = arith.addi %and3A_3, %add3A_14 : i32
      %add3A_16 = arith.constant 0 : i32
      %add3A_17 = arith.addi %add3A_15, %add3A_16 : i32
      %iota3A = tpu.iota {dimensions = array<i32: 0>} : vector<16xi32>
      %add3A_18 = vector.broadcast %add3A_17 : i32 to vector<16xi32>
      %add3A_19 = arith.addi %add3A_18, %iota3A : vector<16xi32>
      %and3A_20 = arith.constant 65535 : i32
      %and3A_21 = vector.broadcast %and3A_20 : i32 to vector<16xi32>
      %and3A_22 = arith.andi %add3A_19, %and3A_21 : vector<16xi32>
      %swap3A = arith.constant 0 : index
      %swap3A_23 = tpu.vector_load %arg7[%swap3A] {strides = array<i32>} : memref<128xi32, #tpu.memory_space<vmem>>, vector<16xi32>,
      %swap3A_24 = vector.shape_cast %swap3A_23 : vector<16xi32> to vector<16xi32>
      %swap3A_25 = vector.shape_cast %and3A_22 : vector<16xi32> to vector<16xi32>
      tpu.vector_store %arg7[%swap3A], %swap3A_25 {strides = array<i32>} : memref<128xi32, #tpu.memory_space<vmem>>, vector<16xi32>,
      %add3A_26 = arith.constant 16 : i32
      %add3A_27 = arith.addi %add3A_15, %add3A_26 : i32
      %iota3A_28 = tpu.iota {dimensions = array<i32: 0>} : vector<16xi32>
      %add3A_29 = vector.broadcast %add3A_27 : i32 to vector<16xi32>
      %add3A_30 = arith.addi %add3A_29, %iota3A_28 : vector<16xi32>
      %and3A_31 = arith.constant 65535 : i32
      %and3A_32 = vector.broadcast %and3A_31 : i32 to vector<16xi32>
      %and3A_33 = arith.andi %add3A_30, %and3A_32 : vector<16xi32>
      %swap3A_34 = arith.constant 16 : index
      %swap3A_35 = tpu.vector_load %arg7[%swap3A_34] {strides = array<i32>} : memref<128xi32, #tpu.memory_space<vmem>>, vector<16xi32>,
      %swap3A_36 = vector.shape_cast %swap3A_35 : vector<16xi32> to vector<16xi32>
      %swap3A_37 = vector.shape_cast %and3A_33 : vector<16xi32> to vector<16xi32>
      tpu.vector_store %arg7[%swap3A_34], %swap3A_37 {strides = array<i32>} : memref<128xi32, #tpu.memory_space<vmem>>, vector<16xi32>,
      %add3A_38 = arith.constant 32 : i32
      %add3A_39 = arith.addi %add3A_15, %add3A_38 : i32
      %iota3A_40 = tpu.iota {dimensions = array<i32: 0>} : vector<16xi32>
      %add3A_41 = vector.broadcast %add3A_39 : i32 to vector<16xi32>
      %add3A_42 = arith.addi %add3A_41, %iota3A_40 : vector<16xi32>
      %and3A_43 = arith.constant 65535 : i32
      %and3A_44 = vector.broadcast %and3A_43 : i32 to vector<16xi32>
      %and3A_45 = arith.andi %add3A_42, %and3A_44 : vector<16xi32>
      %swap3A_46 = arith.constant 32 : index
      %swap3A_47 = tpu.vector_load %arg7[%swap3A_46] {strides = array<i32>} : memref<128xi32, #tpu.memory_space<vmem>>, vector<16xi32>,
      %swap3A_48 = vector.shape_cast %swap3A_47 : vector<16xi32> to vector<16xi32>
      %swap3A_49 = vector.shape_cast %and3A_45 : vector<16xi32> to vector<16xi32>
      tpu.vector_store %arg7[%swap3A_46], %swap3A_49 {strides = array<i32>} : memref<128xi32, #tpu.memory_space<vmem>>, vector<16xi32>,
      %add3A_50 = arith.constant 48 : i32
      %add3A_51 = arith.addi %add3A_15, %add3A_50 : i32
      %iota3A_52 = tpu.iota {dimensions = array<i32: 0>} : vector<16xi32>
      %add3A_53 = vector.broadcast %add3A_51 : i32 to vector<16xi32>
      %add3A_54 = arith.addi %add3A_53, %iota3A_52 : vector<16xi32>
      %and3A_55 = arith.constant 65535 : i32
      %and3A_56 = vector.broadcast %and3A_55 : i32 to vector<16xi32>
      %and3A_57 = arith.andi %add3A_54, %and3A_56 : vector<16xi32>
      %swap3A_58 = arith.constant 48 : index
      %swap3A_59 = tpu.vector_load %arg7[%swap3A_58] {strides = array<i32>} : memref<128xi32, #tpu.memory_space<vmem>>, vector<16xi32>,
      %swap3A_60 = vector.shape_cast %swap3A_59 : vector<16xi32> to vector<16xi32>
      %swap3A_61 = vector.shape_cast %and3A_57 : vector<16xi32> to vector<16xi32>
      tpu.vector_store %arg7[%swap3A_58], %swap3A_61 {strides = array<i32>} : memref<128xi32, #tpu.memory_space<vmem>>, vector<16xi32>,
      %add3A_62 = arith.constant 64 : i32
      %add3A_63 = arith.addi %add3A_15, %add3A_62 : i32
      %iota3A_64 = tpu.iota {dimensions = array<i32: 0>} : vector<16xi32>
      %add3A_65 = vector.broadcast %add3A_63 : i32 to vector<16xi32>
      %add3A_66 = arith.addi %add3A_65, %iota3A_64 : vector<16xi32>
      %and3A_67 = arith.constant 65535 : i32
      %and3A_68 = vector.broadcast %and3A_67 : i32 to vector<16xi32>
      %and3A_69 = arith.andi %add3A_66, %and3A_68 : vector<16xi32>
      %swap3A_70 = arith.constant 64 : index
      %swap3A_71 = tpu.vector_load %arg7[%swap3A_70] {strides = array<i32>} : memref<128xi32, #tpu.memory_space<vmem>>, vector<16xi32>,
      %swap3A_72 = vector.shape_cast %swap3A_71 : vector<16xi32> to vector<16xi32>
      %swap3A_73 = vector.shape_cast %and3A_69 : vector<16xi32> to vector<16xi32>
      tpu.vector_store %arg7[%swap3A_70], %swap3A_73 {strides = array<i32>} : memref<128xi32, #tpu.memory_space<vmem>>, vector<16xi32>,
      %add3A_74 = arith.constant 80 : i32
      %add3A_75 = arith.addi %add3A_15, %add3A_74 : i32
      %iota3A_76 = tpu.iota {dimensions = array<i32: 0>} : vector<16xi32>
      %add3A_77 = vector.broadcast %add3A_75 : i32 to vector<16xi32>
      %add3A_78 = arith.addi %add3A_77, %iota3A_76 : vector<16xi32>
      %and3A_79 = arith.constant 65535 : i32
      %and3A_80 = vector.broadcast %and3A_79 : i32 to vector<16xi32>
      %and3A_81 = arith.andi %add3A_78, %and3A_80 : vector<16xi32>
      %swap3A_82 = arith.constant 80 : index
      %swap3A_83 = tpu.vector_load %arg7[%swap3A_82] {strides = array<i32>} : memref<128xi32, #tpu.memory_space<vmem>>, vector<16xi32>,
      %swap3A_84 = vector.shape_cast %swap3A_83 : vector<16xi32> to vector<16xi32>
      %swap3A_85 = vector.shape_cast %and3A_81 : vector<16xi32> to vector<16xi32>
      tpu.vector_store %arg7[%swap3A_82], %swap3A_85 {strides = array<i32>} : memref<128xi32, #tpu.memory_space<vmem>>, vector<16xi32>,
      %add3A_86 = arith.constant 96 : i32
      %add3A_87 = arith.addi %add3A_15, %add3A_86 : i32
      %iota3A_88 = tpu.iota {dimensions = array<i32: 0>} : vector<16xi32>
      %add3A_89 = vector.broadcast %add3A_87 : i32 to vector<16xi32>
      %add3A_90 = arith.addi %add3A_89, %iota3A_88 : vector<16xi32>
      %and3A_91 = arith.constant 65535 : i32
      %and3A_92 = vector.broadcast %and3A_91 : i32 to vector<16xi32>
      %and3A_93 = arith.andi %add3A_90, %and3A_92 : vector<16xi32>
      %swap3A_94 = arith.constant 96 : index
      %swap3A_95 = tpu.vector_load %arg7[%swap3A_94] {strides = array<i32>} : memref<128xi32, #tpu.memory_space<vmem>>, vector<16xi32>,
      %swap3A_96 = vector.shape_cast %swap3A_95 : vector<16xi32> to vector<16xi32>
      %swap3A_97 = vector.shape_cast %and3A_93 : vector<16xi32> to vector<16xi32>
      tpu.vector_store %arg7[%swap3A_94], %swap3A_97 {strides = array<i32>} : memref<128xi32, #tpu.memory_space<vmem>>, vector<16xi32>,
      %add3A_98 = arith.constant 112 : i32
      %add3A_99 = arith.addi %add3A_15, %add3A_98 : i32
      %iota3A_100 = tpu.iota {dimensions = array<i32: 0>} : vector<16xi32>
      %add3A_101 = vector.broadcast %add3A_99 : i32 to vector<16xi32>
      %add3A_102 = arith.addi %add3A_101, %iota3A_100 : vector<16xi32>
      %and3A_103 = arith.constant 65535 : i32
      %and3A_104 = vector.broadcast %and3A_103 : i32 to vector<16xi32>
      %and3A_105 = arith.andi %add3A_102, %and3A_104 : vector<16xi32>
      %swap3A_106 = arith.constant 112 : index
      %swap3A_107 = tpu.vector_load %arg7[%swap3A_106] {strides = array<i32>} : memref<128xi32, #tpu.memory_space<vmem>>, vector<16xi32>,
      %swap3A_108 = vector.shape_cast %swap3A_107 : vector<16xi32> to vector<16xi32>
      %swap3A_109 = vector.shape_cast %and3A_105 : vector<16xi32> to vector<16xi32>
      tpu.vector_store %arg7[%swap3A_106], %swap3A_109 {strides = array<i32>} : memref<128xi32, #tpu.memory_space<vmem>>, vector<16xi32>,
      %dma_start3A = arith.constant 0 : i32
      %dma_start3A_110 = arith.constant 0 : i32
      %dma_start3A_111 = tpu.memref_slice %arg9[%dma_start3A, %dma_start3A_110] : memref<256x128xf32, #tpu.memory_space<vmem>> -> memref<128x128xf32, #tpu.memory_space<vmem>>
      %dma_start3A_112 = arith.constant 0 : i32
      %dma_start3A_113 = arith.constant 0 : i32
      %dma_start3A_114 = tpu.memref_slice %arg4[%dma_start3A_112, %dma_start3A_113] : memref<65536x128xf32, #tpu.memory_space<hbm>> -> memref<65536x128xf32, #tpu.memory_space<hbm>>
      tpu.enqueue_indirect_dma source(%dma_start3A_111 : memref<128x128xf32, #tpu.memory_space<vmem>>) target(%dma_start3A_114 : memref<65536x128xf32, #tpu.memory_space<hbm>>) offsets(%arg7 : memref<128xi32, #tpu.memory_space<vmem>>) semaphore(%arg10 : memref<!tpu.dma_semaphore, #tpu.memory_space<semaphore_mem>>)
      %dma_wait3A = arith.constant 0 : i32
      %dma_wait3A_115 = arith.constant 0 : i32
      %dma_wait3A_116 = tpu.memref_slice %arg9[%dma_wait3A, %dma_wait3A_115] : memref<256x128xf32, #tpu.memory_space<vmem>> -> memref<128x128xf32, #tpu.memory_space<vmem>>
      %dma_wait3A_117 = arith.constant 0 : i32
      %dma_wait3A_118 = arith.constant 0 : i32
      %dma_wait3A_119 = tpu.memref_slice %arg4[%dma_wait3A_117, %dma_wait3A_118] : memref<65536x128xf32, #tpu.memory_space<hbm>> -> memref<65536x128xf32, #tpu.memory_space<hbm>>
      tpu.wait_indirect_dma semaphore(%arg10 : memref<!tpu.dma_semaphore, #tpu.memory_space<semaphore_mem>>) src(%dma_wait3A_116 : memref<128x128xf32, #tpu.memory_space<vmem>>) dst(%dma_wait3A_119 : memref<65536x128xf32, #tpu.memory_space<hbm>>)
      %add3A_120 = arith.constant 128 : i32
      %add3A_121 = arith.addi %and3A_3, %add3A_120 : i32
      %add3A_122 = arith.constant 0 : i32
      %add3A_123 = arith.addi %add3A_121, %add3A_122 : i32
      %iota3A_124 = tpu.iota {dimensions = array<i32: 0>} : vector<16xi32>
      %add3A_125 = vector.broadcast %add3A_123 : i32 to vector<16xi32>
      %add3A_126 = arith.addi %add3A_125, %iota3A_124 : vector<16xi32>
      %and3A_127 = arith.constant 65535 : i32
      %and3A_128 = vector.broadcast %and3A_127 : i32 to vector<16xi32>
      %and3A_129 = arith.andi %add3A_126, %and3A_128 : vector<16xi32>
      %swap3A_130 = arith.constant 0 : index
      %swap3A_131 = tpu.vector_load %arg8[%swap3A_130] {strides = array<i32>} : memref<128xi32, #tpu.memory_space<vmem>>, vector<16xi32>,
      %swap3A_132 = vector.shape_cast %swap3A_131 : vector<16xi32> to vector<16xi32>
      %swap3A_133 = vector.shape_cast %and3A_129 : vector<16xi32> to vector<16xi32>
      tpu.vector_store %arg8[%swap3A_130], %swap3A_133 {strides = array<i32>} : memref<128xi32, #tpu.memory_space<vmem>>, vector<16xi32>,
      %add3A_134 = arith.constant 16 : i32
      %add3A_135 = arith.addi %add3A_121, %add3A_134 : i32
      %iota3A_136 = tpu.iota {dimensions = array<i32: 0>} : vector<16xi32>
      %add3A_137 = vector.broadcast %add3A_135 : i32 to vector<16xi32>
      %add3A_138 = arith.addi %add3A_137, %iota3A_136 : vector<16xi32>
      %and3A_139 = arith.constant 65535 : i32
      %and3A_140 = vector.broadcast %and3A_139 : i32 to vector<16xi32>
      %and3A_141 = arith.andi %add3A_138, %and3A_140 : vector<16xi32>
      %swap3A_142 = arith.constant 16 : index
      %swap3A_143 = tpu.vector_load %arg8[%swap3A_142] {strides = array<i32>} : memref<128xi32, #tpu.memory_space<vmem>>, vector<16xi32>,
      %swap3A_144 = vector.shape_cast %swap3A_143 : vector<16xi32> to vector<16xi32>
      %swap3A_145 = vector.shape_cast %and3A_141 : vector<16xi32> to vector<16xi32>
      tpu.vector_store %arg8[%swap3A_142], %swap3A_145 {strides = array<i32>} : memref<128xi32, #tpu.memory_space<vmem>>, vector<16xi32>,
      %add3A_146 = arith.constant 32 : i32
      %add3A_147 = arith.addi %add3A_121, %add3A_146 : i32
      %iota3A_148 = tpu.iota {dimensions = array<i32: 0>} : vector<16xi32>
      %add3A_149 = vector.broadcast %add3A_147 : i32 to vector<16xi32>
      %add3A_150 = arith.addi %add3A_149, %iota3A_148 : vector<16xi32>
      %and3A_151 = arith.constant 65535 : i32
      %and3A_152 = vector.broadcast %and3A_151 : i32 to vector<16xi32>
      %and3A_153 = arith.andi %add3A_150, %and3A_152 : vector<16xi32>
      %swap3A_154 = arith.constant 32 : index
      %swap3A_155 = tpu.vector_load %arg8[%swap3A_154] {strides = array<i32>} : memref<128xi32, #tpu.memory_space<vmem>>, vector<16xi32>,
      %swap3A_156 = vector.shape_cast %swap3A_155 : vector<16xi32> to vector<16xi32>
      %swap3A_157 = vector.shape_cast %and3A_153 : vector<16xi32> to vector<16xi32>
      tpu.vector_store %arg8[%swap3A_154], %swap3A_157 {strides = array<i32>} : memref<128xi32, #tpu.memory_space<vmem>>, vector<16xi32>,
      %add3A_158 = arith.constant 48 : i32
      %add3A_159 = arith.addi %add3A_121, %add3A_158 : i32
      %iota3A_160 = tpu.iota {dimensions = array<i32: 0>} : vector<16xi32>
      %add3A_161 = vector.broadcast %add3A_159 : i32 to vector<16xi32>
      %add3A_162 = arith.addi %add3A_161, %iota3A_160 : vector<16xi32>
      %and3A_163 = arith.constant 65535 : i32
      %and3A_164 = vector.broadcast %and3A_163 : i32 to vector<16xi32>
      %and3A_165 = arith.andi %add3A_162, %and3A_164 : vector<16xi32>
      %swap3A_166 = arith.constant 48 : index
      %swap3A_167 = tpu.vector_load %arg8[%swap3A_166] {strides = array<i32>} : memref<128xi32, #tpu.memory_space<vmem>>, vector<16xi32>,
      %swap3A_168 = vector.shape_cast %swap3A_167 : vector<16xi32> to vector<16xi32>
      %swap3A_169 = vector.shape_cast %and3A_165 : vector<16xi32> to vector<16xi32>
      tpu.vector_store %arg8[%swap3A_166], %swap3A_169 {strides = array<i32>} : memref<128xi32, #tpu.memory_space<vmem>>, vector<16xi32>,
      %add3A_170 = arith.constant 64 : i32
      %add3A_171 = arith.addi %add3A_121, %add3A_170 : i32
      %iota3A_172 = tpu.iota {dimensions = array<i32: 0>} : vector<16xi32>
      %add3A_173 = vector.broadcast %add3A_171 : i32 to vector<16xi32>
      %add3A_174 = arith.addi %add3A_173, %iota3A_172 : vector<16xi32>
      %and3A_175 = arith.constant 65535 : i32
      %and3A_176 = vector.broadcast %and3A_175 : i32 to vector<16xi32>
      %and3A_177 = arith.andi %add3A_174, %and3A_176 : vector<16xi32>
      %swap3A_178 = arith.constant 64 : index
      %swap3A_179 = tpu.vector_load %arg8[%swap3A_178] {strides = array<i32>} : memref<128xi32, #tpu.memory_space<vmem>>, vector<16xi32>,
      %swap3A_180 = vector.shape_cast %swap3A_179 : vector<16xi32> to vector<16xi32>
      %swap3A_181 = vector.shape_cast %and3A_177 : vector<16xi32> to vector<16xi32>
      tpu.vector_store %arg8[%swap3A_178], %swap3A_181 {strides = array<i32>} : memref<128xi32, #tpu.memory_space<vmem>>, vector<16xi32>,
      %add3A_182 = arith.constant 80 : i32
      %add3A_183 = arith.addi %add3A_121, %add3A_182 : i32
      %iota3A_184 = tpu.iota {dimensions = array<i32: 0>} : vector<16xi32>
      %add3A_185 = vector.broadcast %add3A_183 : i32 to vector<16xi32>
      %add3A_186 = arith.addi %add3A_185, %iota3A_184 : vector<16xi32>
      %and3A_187 = arith.constant 65535 : i32
      %and3A_188 = vector.broadcast %and3A_187 : i32 to vector<16xi32>
      %and3A_189 = arith.andi %add3A_186, %and3A_188 : vector<16xi32>
      %swap3A_190 = arith.constant 80 : index
      %swap3A_191 = tpu.vector_load %arg8[%swap3A_190] {strides = array<i32>} : memref<128xi32, #tpu.memory_space<vmem>>, vector<16xi32>,
      %swap3A_192 = vector.shape_cast %swap3A_191 : vector<16xi32> to vector<16xi32>
      %swap3A_193 = vector.shape_cast %and3A_189 : vector<16xi32> to vector<16xi32>
      tpu.vector_store %arg8[%swap3A_190], %swap3A_193 {strides = array<i32>} : memref<128xi32, #tpu.memory_space<vmem>>, vector<16xi32>,
      %add3A_194 = arith.constant 96 : i32
      %add3A_195 = arith.addi %add3A_121, %add3A_194 : i32
      %iota3A_196 = tpu.iota {dimensions = array<i32: 0>} : vector<16xi32>
      %add3A_197 = vector.broadcast %add3A_195 : i32 to vector<16xi32>
      %add3A_198 = arith.addi %add3A_197, %iota3A_196 : vector<16xi32>
      %and3A_199 = arith.constant 65535 : i32
      %and3A_200 = vector.broadcast %and3A_199 : i32 to vector<16xi32>
      %and3A_201 = arith.andi %add3A_198, %and3A_200 : vector<16xi32>
      %swap3A_202 = arith.constant 96 : index
      %swap3A_203 = tpu.vector_load %arg8[%swap3A_202] {strides = array<i32>} : memref<128xi32, #tpu.memory_space<vmem>>, vector<16xi32>,
      %swap3A_204 = vector.shape_cast %swap3A_203 : vector<16xi32> to vector<16xi32>
      %swap3A_205 = vector.shape_cast %and3A_201 : vector<16xi32> to vector<16xi32>
      tpu.vector_store %arg8[%swap3A_202], %swap3A_205 {strides = array<i32>} : memref<128xi32, #tpu.memory_space<vmem>>, vector<16xi32>,
      %add3A_206 = arith.constant 112 : i32
      %add3A_207 = arith.addi %add3A_121, %add3A_206 : i32
      %iota3A_208 = tpu.iota {dimensions = array<i32: 0>} : vector<16xi32>
      %add3A_209 = vector.broadcast %add3A_207 : i32 to vector<16xi32>
      %add3A_210 = arith.addi %add3A_209, %iota3A_208 : vector<16xi32>
      %and3A_211 = arith.constant 65535 : i32
      %and3A_212 = vector.broadcast %and3A_211 : i32 to vector<16xi32>
      %and3A_213 = arith.andi %add3A_210, %and3A_212 : vector<16xi32>
      %swap3A_214 = arith.constant 112 : index
      %swap3A_215 = tpu.vector_load %arg8[%swap3A_214] {strides = array<i32>} : memref<128xi32, #tpu.memory_space<vmem>>, vector<16xi32>,
      %swap3A_216 = vector.shape_cast %swap3A_215 : vector<16xi32> to vector<16xi32>
      %swap3A_217 = vector.shape_cast %and3A_213 : vector<16xi32> to vector<16xi32>
      tpu.vector_store %arg8[%swap3A_214], %swap3A_217 {strides = array<i32>} : memref<128xi32, #tpu.memory_space<vmem>>, vector<16xi32>,
      %dma_start3A_218 = arith.constant 128 : i32
      %dma_start3A_219 = arith.constant 0 : i32
      %dma_start3A_220 = tpu.memref_slice %arg9[%dma_start3A_218, %dma_start3A_219] : memref<256x128xf32, #tpu.memory_space<vmem>> -> memref<128x128xf32, #tpu.memory_space<vmem>>
      %dma_start3A_221 = arith.constant 0 : i32
      %dma_start3A_222 = arith.constant 0 : i32
      %dma_start3A_223 = tpu.memref_slice %arg4[%dma_start3A_221, %dma_start3A_222] : memref<65536x128xf32, #tpu.memory_space<hbm>> -> memref<65536x128xf32, #tpu.memory_space<hbm>>
      tpu.enqueue_indirect_dma source(%dma_start3A_220 : memref<128x128xf32, #tpu.memory_space<vmem>>) target(%dma_start3A_223 : memref<65536x128xf32, #tpu.memory_space<hbm>>) offsets(%arg8 : memref<128xi32, #tpu.memory_space<vmem>>) semaphore(%arg10 : memref<!tpu.dma_semaphore, #tpu.memory_space<semaphore_mem>>)
      %dma_wait3A_224 = arith.constant 128 : i32
      %dma_wait3A_225 = arith.constant 0 : i32
      %dma_wait3A_226 = tpu.memref_slice %arg9[%dma_wait3A_224, %dma_wait3A_225] : memref<256x128xf32, #tpu.memory_space<vmem>> -> memref<128x128xf32, #tpu.memory_space<vmem>>
      %dma_wait3A_227 = arith.constant 0 : i32
      %dma_wait3A_228 = arith.constant 0 : i32
      %dma_wait3A_229 = tpu.memref_slice %arg4[%dma_wait3A_227, %dma_wait3A_228] : memref<65536x128xf32, #tpu.memory_space<hbm>> -> memref<65536x128xf32, #tpu.memory_space<hbm>>
      tpu.wait_indirect_dma semaphore(%arg10 : memref<!tpu.dma_semaphore, #tpu.memory_space<semaphore_mem>>) src(%dma_wait3A_226 : memref<128x128xf32, #tpu.memory_space<vmem>>) dst(%dma_wait3A_229 : memref<65536x128xf32, #tpu.memory_space<hbm>>)
    } else {
    }
    return
  }
}

</mosaic_0001>

<sc_bundles>
// kernel: kernel.3.cloned.1.call-start
scs
__scs_entry_jumppad:
0x0: {  	(pc) =	sbr.rel $0x88, $3  }
0x1: {  	(tag) =	ssettag $0x0;
	lr =	simm.s32 $0x1  }
0x2: {  	[smem:$0x3F9E] =	sst lr;
	_ =	strace $0xD0000000  }
0x3: {  	_ = 	snop  }
0x4: {  	_ = 	snop  }
0x5: {  	_ = 	snop  }
0x6: {  	_ = 	snop  }
0x7: {  	_ = 	snop  }
__scs_overlays_trampoline_lowered:
0x8: {  	[smem:$0x3FAD] =	sst s0  }
0x9: {  	[smem:$0x3FAE] =	sst s1  }
0xa: {  	[smem:$0x3FAF] =	sst s2  }
0xb: {  	[smem:$0x3FB0] =	sst s3  }
0xc: {  	[smem:$0x3FB1] =	sst s4  }
0xd: {  	[smem:$0x3FB2] =	sst s5  }
0xe: {  	[smem:$0x3FB3] =	sst s6  }
0xf: {  	[smem:$0x3FB4] =	sst s7  }
0x10: {  	[smem:$0x3FB5] =	sst s8  }
0x11: {  	[smem:$0x3FB6] =	sst s9;
	s0 =	simm.s32 @!p0 $0x0  }
0x12: {  	s1 =	sld [smem:$0x3F9C];
	s0 =	simm.s32 @p0 $0x1  }
0x13: {  	[smem:$0x3FB7] =	sst s0;
	s0 =	simm.s32 @!p1 $0x0  }
0x14: {  	s2 =	sld [smem:$0x3F9B];
	s0 =	simm.s32 @p1 $0x1  }
0x15: {  	[smem:$0x3FB8] =	sst s0;
	s0 =	simm.s32 @!p2 $0x0  }
0x16: {  	s3 =	sld [smem:$0x3FDB];
	s0 =	simm.s32 @p2 $0x1  }
0x17: {  	s4 =	simm.s32 $0x1BF5;
	[smem:$0x3FBA] =	sst s0  }
0x18: {  	s0 =	sld [smem:$0x3F9D];
	_ =	swait.ge [sflag:s4], $0x0  }
0x19: {  	s7 =	sld [smem:$0x3F9E]  }
0x1a: {  	s8 =	sadd.s32 $0xFFFFE003, lr  }
0x1b: {  	s9 =	sadd.s32 $0xFFFFFEF7, lr;
	s5 =	simm.s32 $0xFFFFFFFF;
	p2 =	slt.u32 s8, $0xFFFFF086  }
0x1c: {  	p1 =	slt.u32 s9, $0xF7A;
	s5 =	simm.s32 @!p2 $0x0  }
0x1d: {  	s5 =	simm.s32 @p1 $0x1;
	p0 =	seq.s32 s7, s2  }
0x1e: {  	s7 =	smul.u32 @!p0 $0xF7A, s2;
	p2 =	seq.s32 @!p0 s5, $0x0  }
0x1f: {  	s9 =	smul.u32 $0xF7A, s1;
	s8 =	simm.s32 @!p0 $0x1BF5;
	p2 =	por !p2, p0  }
0x20: {  	[sflag:s8] =	ssyncset.s32 @!p0 $0xFFFFF086;
	s6 =	sadd.s32 @!p0 s3, s7;
	s7 =	simm.s32 @!p0 $0x108  }
0x21: {  	s3 =	sadd.s32 s3, s9;
	s6 =	sadd.s32 @!p0 $0x88, s6;
	s7 =	simm.s32 @p2 $0x1082  }
0x22: {  	[simem:s7], [sflag:s8] =	dma.local @!p0 [hbm:s6], $0xF7A  }
0x23: {  	s9 =	sor.u32 $0xD0000000, s2;
	s6 =	simm.s32 $0x108;
	_ =	swait.ge @!p0 [sflag:s8], $0x0  }
0x24: {  	s3 =	sadd.s32 $0x88, s3;
	s6 =	simm.s32 @!p1 $0x1082;
	[sflag:s4] =	ssyncset.s32 $0xFFFFF086  }
0x25: {  	[simem:s6], [sflag:s4] =	dma.local [hbm:s3], $0xF7A  }
0x26: {  	[smem:$0x3F9E] =	sst s1;
	(tag) =	ssettag s2;
	_ =	strace s9  }
0x27: {  	s1 =	sld [smem:$0x3FAE]  }
0x28: {  	s2 =	sld [smem:$0x3FAF]  }
0x29: {  	s4 =	sld [smem:$0x3FB1]  }
0x2a: {  	p0 =	seq.s32 s5, $0x0;
	s5 =	sld [smem:$0x3FB2]  }
0x2b: {  	s6 =	sld [smem:$0x3FB3]  }
0x2c: {  	s7 =	sld [smem:$0x3FB4]  }
0x2d: {  	s3 =	simm.s32 $0x108;
	s8 =	sld [smem:$0x3FB5]  }
0x2e: {  	s3 =	simm.s32 @!p0 $0x1082;
	s9 =	sld [smem:$0x3FB6]  }
0x2f: {  	lr =	sadd.s32 s0, s3;
	s0 =	sld [smem:$0x3FAD]  }
0x30: {  	s3 =	sld [smem:$0x3FB0]  }
0x31: {  	[smem:$0x3FB9] =	sst s10  }
0x32: {  	s10 =	sld [smem:$0x3FB7];
	_ =	sdelay $0x3  }
0x33: {  	p0 =	seq.s32 s10, $0x1;
	s10 =	sld [smem:$0x3FB9];
	_ =	sdelay $0x3  }
0x34: {  	[smem:$0x3FB9] =	sst s10  }
0x35: {  	s10 =	sld [smem:$0x3FB8];
	_ =	sdelay $0x3  }
0x36: {  	p1 =	seq.s32 s10, $0x1;
	s10 =	sld [smem:$0x3FB9];
	_ =	sdelay $0x3  }
0x37: {  	[smem:$0x3FB9] =	sst s10  }
0x38: {  	s10 =	sld [smem:$0x3FBA]  }
0x39: {  	_ = 	snop;
	(pc) =	sbr.ind lr, $3  }
0x3a: {  	_ = 	snop  }
0x3b: {  	_ = 	snop  }
0x3c: {  	p2 =	seq.s32 s10, $0x1;
	s10 =	sld [smem:$0x3FB9]  }
0x3d: {  	_ =	shalt  }
0x3e: {  	_ =	shalt  }
0x3f: {  	_ =	shalt  }
0x40: {  	_ =	shalt  }
0x41: {  	_ =	shalt  }
0x42: {  	_ =	shalt  }
0x43: {  	_ =	shalt  }
0x44: {  	_ =	shalt  }
0x45: {  	_ =	shalt  }
0x46: {  	_ =	shalt  }
0x47: {  	_ =	shalt  }
0x48: {  	_ =	shalt  }
0x49: {  	_ =	shalt  }
0x4a: {  	_ =	shalt  }
0x4b: {  	_ =	shalt  }
0x4c: {  	_ =	shalt  }
0x4d: {  	_ =	shalt  }
0x4e: {  	_ =	shalt  }
0x4f: {  	_ =	shalt  }
0x50: {  	_ =	shalt  }
0x51: {  	_ =	shalt  }
0x52: {  	_ =	shalt  }
0x53: {  	_ =	shalt  }
0x54: {  	_ =	shalt  }
0x55: {  	_ =	shalt  }
0x56: {  	_ =	shalt  }
0x57: {  	_ =	shalt  }
0x58: {  	_ =	shalt  }
0x59: {  	_ =	shalt  }
0x5a: {  	_ =	shalt  }
0x5b: {  	_ =	shalt  }
0x5c: {  	_ =	shalt  }
0x5d: {  	_ =	shalt  }
0x5e: {  	_ =	shalt  }
0x5f: {  	_ =	shalt  }
0x60: {  	_ =	shalt  }
0x61: {  	_ =	shalt  }
0x62: {  	_ =	shalt  }
0x63: {  	_ =	shalt  }
0x64: {  	_ =	shalt  }
0x65: {  	_ =	shalt  }
0x66: {  	_ =	shalt  }
0x67: {  	_ =	shalt  }
0x68: {  	_ =	shalt  }
0x69: {  	_ =	shalt  }
0x6a: {  	_ =	shalt  }
0x6b: {  	_ =	shalt  }
0x6c: {  	_ =	shalt  }
0x6d: {  	_ =	shalt  }
0x6e: {  	_ =	shalt  }
0x6f: {  	_ =	shalt  }
0x70: {  	_ =	shalt  }
0x71: {  	_ =	shalt  }
0x72: {  	_ =	shalt  }
0x73: {  	_ =	shalt  }
0x74: {  	_ =	shalt  }
0x75: {  	_ =	shalt  }
0x76: {  	_ =	shalt  }
0x77: {  	_ =	shalt  }
0x78: {  	_ =	shalt  }
0x79: {  	_ =	shalt  }
0x7a: {  	_ =	shalt  }
0x7b: {  	_ =	shalt  }
0x7c: {  	_ =	shalt  }
0x7d: {  	_ =	shalt  }
0x7e: {  	_ =	shalt  }
0x7f: {  	_ =	shalt  }
0x80: {  	_ =	shalt  }
0x81: {  	_ =	shalt  }
0x82: {  	_ =	shalt  }
0x83: {  	_ =	shalt  }
0x84: {  	_ =	shalt  }
0x85: {  	_ =	shalt  }
0x86: {  	_ =	shalt  }
0x87: {  	_ =	shalt  }
.Lfunc_end0:
.L_simem_size_0:
called_computation_lowered:
.L_overlay_start_0:
0x88: {  	s0 =	sld [smem:$0x3FD9]  }
0x89: {  	s1 =	sld [smem:$0x3FFE];
	_ =	sdelay $0x3  }
0x8a: {  	s0 =	sadd.s32 s1, s0  }
0x8b: {  	[smem:$0x3FC5] =	sst s0  }
0x8c: {  	_ = 	snop  }
0x8d: {  	s0 =	sld [smem:$0x3FC9]  }
0x8e: {  	s17 =	sld [smem:$0x3FC7]  }
0x8f: {  	s2 =	sld [smem:$0x3FD0];
	(tm) =	ssettm $0x1  }
0x90: {  	s3 =	sld [smem:$0x3FFB];
	_ =	sdelay $0x3  }
0x91: {  	_ =	strace s3  }
0x92: {  	s3 =	sld [smem:$0x3FFC];
	_ =	sdelay $0x3  }
0x93: {  	_ =	strace s3  }
0x94: {  	s3 =	sld [smem:$0x3FFD];
	_ =	sdelay $0x3  }
0x95: {  	_ =	strace s3  }
0x96: {  	_ =	strace $0x8FFFFFFF  }
0x97: {  	s18 =	sld [smem:$0x3FDB];
	_ =	sdelay $0x1  }
0x98: {  	s4 =	simm.s32 $_scs_section_size  }
0x99: {  	s5 =	simm.s32 $_size__tile_overlayer_lowered;
	s6 =	simm.s32 $_tile_overlayer_lowered  }
0x9a: {  	s21 =	simm.s32 $0x1BFF;
	s20 =	sshll.u32 s6, $0x1;
	s3 =	sadd.s32 s4, s18  }
0x9b: {  	s7 =	simm.s32 $0x0;
	s19 =	sshll.u32 s5, $0x1;
	s5 =	sadd.s32 s20, s3  }
0x9c: {  	[timem:s7], [sflag:s21] =	dma.local [hbm:s5], s19  }
0x9d: {  	_ =	swait.ge [sflag:s21], s19  }
0x9e: {  	s4 =	ssub.s32 $0x0, s19;
	[sflag:s21] =	ssyncset.done $0x0  }
0x9f: {  	[sflag:s21] =	ssyncadd.s32 s4;
	_ =	sdelay $0x1  }
0xa0: {  	s22 =	simm.s32 $0x1B8B  }
0xa1: {  	_ =	swait.ge [sflag:s22], $0x1  }
0xa2: {  	[sflag:s22] =	ssyncset.done $0x0  }
0xa3: {  	s23 =	simm.s32 $0x1B8E;
	[sflag:s22] =	ssyncadd.s32 $0xFFFFFFFF  }
0xa4: {  	s24 =	simm.s32 $execute0_lowered;
	[smem:$0x3FD2] =	sst s23  }
0xa5: {  	s4 =	sshll.u32 s24, $0x1;
	_ =	strace $0x80000046;
	[dreg:$0x1] =	wrdreg $0xFFFFFFFF  }
0xa6: {  	s25 =	simm.s32 $_size_execute0_lowered;
	s3 =	sadd.s32 s3, s4;
	[dreg:$0x0] =	wrdreg $0x0  }
0xa7: {  	s4 =	sshll.u32 s25, $0x1;
	[dreg:$0x2] =	wrdreg s3  }
0xa8: {  	[dreg:$0x3] =	wrdreg s4  }
0xa9: {  	[dreg:$0x4] =	wrdreg $0xC0  }
0xaa: {  	_ =	task [dreg:s7], $0x5FFFF  }
0xab: {  	[dreg:$0x1] =	wrdreg $0xFFFFFFFF  }
0xac: {  	[dreg:$0x0] =	wrdreg $0x60  }
0xad: {  	[dreg:$0x2] =	wrdreg s0  }
0xae: {  	[dreg:$0x3] =	wrdreg s17  }
0xaf: {  	[dreg:$0x4] =	wrdreg s2  }
0xb0: {  	[dreg:$0x5] =	wrdreg $0x9  }
0xb1: {  	_ =	task.clear_ibuf [dreg:s7], $0x6FFFF;
	_ =	strace $0x90000046  }
0xb2: {  	s26 =	simm.s32 $0x9;
	_ =	strace $0x80000048  }
0xb3: {  	_ =	swait.ge [sflag:s26], $0x1  }
0xb4: {  	[sflag:s26] =	ssyncadd.s32 $0xFFFFFFFF  }
0xb5: {  	_ =	strace $0x90000048  }
0xb6: {  	_ =	sfence  }
0xb7: {  	s28 =	sld [smem:$0x0];
	_ =	sdelay $0x1  }
0xb8: {  	s29 =	srdreg.scid  }
0xb9: {  	s30 =	sshll.u32 s29, $0xD;
	s31 =	sshrl.u32 s29, $0x2  }
0xba: {  	s1 =	sand.u32 $0x1, s29;
	s2 =	sand.u32 $0x4000, s30;
	s0 =	sadd.s32 s31, s28  }
0xbb: {  	s1 =	sor.u32 s2, s1;
	s0 =	sshll.u32 s0, $0x11  }
0xbc: {  	s0 =	sor.u32 s0, s1  }
0xbd: {  	s0 =	sadd.s32 $0x8F2B, s0  }
0xbe: {  	[sflag:s0] =	ssyncadd.remote.s32 $0x1  }
0xbf: {  	_ =	sfence.sel $0xFFFF  }
0xc0: {  	[dreg:$0x0] =	wrdreg $0xFFFFFFFF;
	(pc) =	sbr.abs _section_cstart, $3  }
0xc1: {  	[dreg:$0x1] =	wrdreg $0xFFFFFFFF  }
0xc2: {  	_ =	task.clear_ibuf [dreg:s7], $0x2FFFF;
	_ =	strace $0x9FFFFFFF  }
0xc3: {  	(tm) =	ssettm $0x7FFFFFFF  }
tec
execute0_lowered:
.L_overlay_start_1:
0x0: {  	(tag) =	ssettag $0x1  }
0x1: {  	s3 =	rddreg [dreg:$0x0]  }
0x2: {  	s1 =	rddreg [dreg:$0x1]  }
0x3: {  	s2 =	rddreg [dreg:$0x2];
	s5 =	simm.s32 $0x0  }
0x4: {  	[smem:$0x7FF] =	sst s5  }
0x5: {  	s0 =	rddreg [dreg:$0x3];
	s6 =	simm.s32 $0x2;
	_ =	strace $0x80000047  }
0x6: {  	[tilespmem:s5], [sflag:$0x2] =	stream.linear.gather [hbm4b:s1+s5], $0x1, $0x38;
	[tilespmem:$0x8180] =	vst v63  }
0x7: {  	_ =	swait.ge [sflag:s6], $0x1  }
0x8: {  	[sflag:s6] =	ssyncset.done $0x0  }
0x9: {  	[sflag:s6] =	ssyncadd.s32 $0xFFFFFFFF  }
0xa: {  	v0 =	vld [tilespmem:$0x0];
	_ =	sdelay $0x4  }
0xb: {  	(v2sf) =	vpush v0, $0x0;
	_ =	sdelay $0xd  }
0xc: {  	s1 =	stileid.u32  }
0xd: {  	s4 =	sshll.u32 s1, $0x8;
	s8 =	spop (v2sf)  }
0xe: {  	s7 =	sshll.u32 s1, $0xC;
	s30 =	sadd.s32 s4, s8;
	s31 =	sand.u32 $0x7, s8  }
0xf: {  	s7 =	sadd.s32 s3, s7;
	s3 =	sand.u32 $0xFFFF, s30;
	p0 =	sne.s32 s31, $0x0  }
0x10: {  	p1 =	sgt.u32 @!p0 s3, $0xFF00  }
0x11: {  	p0 =	por p0, p1  }
.Ltmp0:
0x12: {  	s4 =	simm.s32 $0x180;
	(pc) =	sbr.rel @p0 .LBB2_2-.Ltmp0, $4  }
0x13: {  	[tilespmem:s4], [sflag:$0x2] =	stream.linear.gather [hbm4b:s7+s5], $0x8000, $0x38;
	[tilespmem:$0x8180] =	vst v63  }
0x14: {  	_ =	swait.ge [sflag:s6], $0x8000  }
0x15: {  	[sflag:s6] =	ssyncset.done $0x0  }
0x16: {  	[sflag:s6] =	ssyncadd.s32 $0xFFFF8000  }
0x17: {  	s3 =	sshll.u32 s3, $0x4  }
.Ltmp1:
0x18: {  	s2 =	sadd.s32 s2, s3;
	(pc) =	sbr.rel .LBB2_3-.Ltmp1, $4  }
0x19: {  	[hbm4b:s2+s5] =	stream.linear.scatter [tilespmem:s4], [sflag:$0x2], $0x8000, $0x38;
	[tilespmem:$0x8180] =	vst v63  }
0x1a: {  	_ =	swait.ge [sflag:s6], $0x8000  }
0x1b: {  	[sflag:s6] =	ssyncset.done $0x0  }
0x1c: {  	[sflag:s6] =	ssyncadd.s32 $0xFFFF8000  }
.LBB2_2:
0x1d: {  	v0 =	vlaneseq.u32  }
0x1e: {  	s5 =	sadd.s32 $0x10, s3;
	v1 =	vadd.s32 s3, v0  }
0x1f: {  	s14 =	sadd.s32 $0x20, s3;
	v2 =	vadd.s32 s5, v0;
	v1 =	vand.u32 $0xFFFF, v1  }
0x20: {  	s15 =	sadd.s32 $0x30, s3;
	v39 =	vadd.s32 s14, v0;
	v38 =	vand.u32 $0xFFFF, v2;
	[tilespmem:$0x80] =	vst v1  }
0x21: {  	s16 =	sadd.s32 $0x40, s3;
	v41 =	vadd.s32 s15, v0;
	v40 =	vand.u32 $0xFFFF, v39;
	[tilespmem:$0x90] =	vst v38  }
0x22: {  	s17 =	sadd.s32 $0x50, s3;
	v43 =	vadd.s32 s16, v0;
	v42 =	vand.u32 $0xFFFF, v41;
	[tilespmem:$0xA0] =	vst v40  }
0x23: {  	s18 =	sadd.s32 $0x60, s3;
	v45 =	vadd.s32 s17, v0;
	v44 =	vand.u32 $0xFFFF, v43;
	[tilespmem:$0xB0] =	vst v42  }
0x24: {  	s19 =	sadd.s32 $0x70, s3;
	v47 =	vadd.s32 s18, v0;
	v46 =	vand.u32 $0xFFFF, v45;
	[tilespmem:$0xC0] =	vst v44  }
0x25: {  	v49 =	vadd.s32 s19, v0;
	v48 =	vand.u32 $0xFFFF, v47;
	[tilespmem:$0xD0] =	vst v46  }
0x26: {  	v50 =	vand.u32 $0xFFFF, v49;
	[tilespmem:$0xE0] =	vst v48  }
0x27: {  	s20 =	simm.s32 $0x80;
	s21 =	simm.s32 $0x1;
	[tilespmem:$0xF0] =	vst v50  }
0x28: {  	[hbm4b:s2+s20] =	stream.indirect.scatter [tilespmem:s4], [sflag:$0x1], $0x80, s20, s20, $0xb8;
	[tilespmem:$0x8180] =	vst v63  }
0x29: {  	s6 =	sadd.s32 $0x80, s3;
	_ =	swait.ge [sflag:s21], $0x4000  }
0x2a: {  	s22 =	sadd.s32 $0x90, s3;
	v51 =	vadd.s32 s6, v0;
	[sflag:s21] =	ssyncset.done $0x0  }
0x2b: {  	s23 =	sadd.s32 $0xA0, s3;
	v52 =	vadd.s32 s22, v0;
	v1 =	vand.u32 $0xFFFF, v51;
	[sflag:s21] =	ssyncadd.s32 $0xFFFFC000  }
0x2c: {  	s24 =	sadd.s32 $0xB0, s3;
	v54 =	vadd.s32 s23, v0;
	v53 =	vand.u32 $0xFFFF, v52;
	[tilespmem:$0x100] =	vst v1  }
0x2d: {  	s25 =	sadd.s32 $0xC0, s3;
	v56 =	vadd.s32 s24, v0;
	v55 =	vand.u32 $0xFFFF, v54;
	[tilespmem:$0x110] =	vst v53  }
0x2e: {  	s26 =	sadd.s32 $0xD0, s3;
	v58 =	vadd.s32 s25, v0;
	v57 =	vand.u32 $0xFFFF, v56;
	[tilespmem:$0x120] =	vst v55  }
0x2f: {  	s28 =	sadd.s32 $0xE0, s3;
	v60 =	vadd.s32 s26, v0;
	v59 =	vand.u32 $0xFFFF, v58;
	[tilespmem:$0x130] =	vst v57  }
0x30: {  	s29 =	sadd.s32 $0xF0, s3;
	v62 =	vadd.s32 s28, v0;
	v61 =	vand.u32 $0xFFFF, v60;
	[tilespmem:$0x140] =	vst v59  }
0x31: {  	v0 =	vadd.s32 s29, v0;
	v63 =	vand.u32 $0xFFFF, v62;
	[tilespmem:$0x150] =	vst v61  }
0x32: {  	v0 =	vand.u32 $0xFFFF, v0;
	[tilespmem:$0x160] =	vst v63  }
0x33: {  	s30 =	simm.s32 $0x100;
	s31 =	simm.s32 $0x4180;
	[tilespmem:$0x170] =	vst v0  }
0x34: {  	[hbm4b:s2+s20] =	stream.indirect.scatter [tilespmem:s31], [sflag:$0x1], $0x80, s30, s20, $0xb8;
	[tilespmem:$0x8180] =	vst v63  }
0x35: {  	_ =	swait.ge [sflag:s21], $0x4000  }
0x36: {  	[sflag:s21] =	ssyncset.done $0x0  }
0x37: {  	[sflag:s21] =	ssyncadd.s32 $0xFFFFC000  }
.LBB2_3:
0x38: {  	_ =	sfence.sel $0x180000  }
0x39: {  	[bflag:$0x0] =	sbarrier.arrive $0xFFFF  }
0x3a: {  	p0 =	sne.s32 s1, $0x0;
	_ =	strace $0x90000047  }
0x3b: {  	s0 =	sadd.s32 @!p0 $0x100000, s0;
	[bflag:$0x2] =	sbarrier.arrive $0xFFFF  }
0x3c: {  	[sflag:s0] =	ssyncadd.tile.s32 @!p0 $0x1;
	_ =	shalt  }
.Lfunc_end2:
_tile_overlayer_lowered:
.L_overlay_start_2:
0x3d: {  	(tag) =	ssettag $0x2  }
0x3e: {  	s0 =	rddreg [dreg:$0x0];
	s2 =	stileid.u32  }
0x3f: {  	s1 =	rddreg [dreg:$0x1];
	p0 =	sne.s32 s2, $0x0  }
0x40: {  	s3 =	rddreg [dreg:$0x2];
	[bflag:$0x3] =	sbarrier.arrive $0xFFFF;
	s2 =	simm.s32 @!p0 $0x1C02  }
0x41: {  	[timem:s3], [sflag:s2] =	dma.local @!p0 [hbm:s0], s1  }
0x42: {  	s0 =	simm.s32 @!p0 $0x2  }
0x43: {  	_ =	swait.ge @!p0 [sflag:s0], s1  }
0x44: {  	s1 =	ssub.s32 @!p0 $0x0, s1;
	[sflag:s0] =	ssyncset.done @!p0 $0x0  }
0x45: {  	[sflag:s0] =	ssyncadd.s32 @!p0 s1  }
0x46: {  	[bflag:$0x3] =	sbarrier.arrive $0xFFFF  }
0x47: {  	_ =	shalt  }

</sc_bundles>
